<compile_context>
chip_gen: v7x
topology: tpu7x:2x2x1
jax: 0.10.2.dev20260603
libtpu: 0.0.44.dev20260713+nightly
codegen_flags: <defaults>
</compile_context>

<pallas_src>
import functools

import numpy as np
import jax
import jax.numpy as jnp
from jax.experimental import pallas as pl

T = 8192
HIDDEN = 2048
NHEADS = 16
HEAD_DIM = 128
ROPE_DIM = 64
QLORA = 1536
ROPE_THETA = 10000.0

BM = 256


def _hadamard128():
    h = np.array([[1.0]], dtype=np.float64)
    while h.shape[0] < HEAD_DIM:
        h = np.block([[h, h], [h, -h]])
    return h.astype(np.float32)


_H128 = _hadamard128()

_PERM_HALF = np.concatenate(
    [np.arange(0, ROPE_DIM, 2), np.arange(1, ROPE_DIM, 2), np.arange(ROPE_DIM, HEAD_DIM)]
)
_INV_FREQ = (
    1.0 / (ROPE_THETA ** (np.arange(0, ROPE_DIM, 2).astype(np.float32) / ROPE_DIM))
).reshape(1, ROPE_DIM // 2)


def _indexer_kernel(ql_ref, hid_ref, cos_ref, sin_ref, wq_ref, wk_ref,
                    gam_ref, bet_ref, hmat_ref, q_out_ref, k_out_ref):
    half = ROPE_DIM // 2
    bm = ql_ref.shape[0]
    cos = cos_ref[...]
    sin = sin_ref[...]
    hmat = hmat_ref[...]
    ones64 = jnp.ones((bm, HEAD_DIM - ROPE_DIM), jnp.float32)
    zeros32 = jnp.zeros((bm, half), jnp.float32)
    zeros64 = jnp.zeros((bm, HEAD_DIM - ROPE_DIM), jnp.float32)
    head_c = jnp.concatenate([cos, cos, ones64], axis=1)
    head_sl = jnp.concatenate([-sin, zeros32, zeros64], axis=1)
    head_sr = jnp.concatenate([zeros32, sin, zeros64], axis=1)

    def rope(x):
        reps = x.shape[1] // HEAD_DIM
        c = jnp.concatenate([head_c] * reps, axis=1) if reps > 1 else head_c
        sl = jnp.concatenate([head_sl] * reps, axis=1) if reps > 1 else head_sl
        sr = jnp.concatenate([head_sr] * reps, axis=1) if reps > 1 else head_sr
        xl = jnp.concatenate([x[:, half:], x[:, :half]], axis=1)
        xr = jnp.concatenate([x[:, -half:], x[:, :-half]], axis=1)
        return x * c + xl * sl + xr * sr

    k = jnp.dot(hid_ref[...].astype(jnp.bfloat16), wk_ref[...],
                preferred_element_type=jnp.float32)
    mu = jnp.mean(k, axis=1, keepdims=True)
    var = jnp.mean((k - mu) ** 2, axis=1, keepdims=True)
    k = (k - mu) * jax.lax.rsqrt(var + 1e-5) * gam_ref[...] + bet_ref[...]
    k_out_ref[...] = jnp.dot(rope(k).astype(jnp.bfloat16), hmat,
                             preferred_element_type=jnp.float32) * (HEAD_DIM ** -0.5)

    q = jnp.dot(ql_ref[...].astype(jnp.bfloat16), wq_ref[...],
                preferred_element_type=jnp.float32)
    qr = rope(q).astype(jnp.bfloat16)
    heads = []
    for h in range(NHEADS):
        heads.append(
            jnp.dot(qr[:, h * HEAD_DIM:(h + 1) * HEAD_DIM], hmat,
                    preferred_element_type=jnp.float32) * (HEAD_DIM ** -0.5))
    q_out_ref[...] = jnp.concatenate(heads, axis=1)


@jax.jit
def kernel(q_lora, hidden_states, positions, Wq_b, Wk, k_gamma, k_beta):
    nt = q_lora.shape[0]
    qperm = (np.arange(NHEADS)[:, None] * HEAD_DIM + _PERM_HALF[None, :]).reshape(-1)
    wq = Wq_b[:, qperm].astype(jnp.bfloat16)
    wk = Wk[:, _PERM_HALF].astype(jnp.bfloat16)
    gam = k_gamma[_PERM_HALF].reshape(1, HEAD_DIM)
    bet = k_beta[_PERM_HALF].reshape(1, HEAD_DIM)
    freqs = positions.astype(jnp.float32)[:, None] * jnp.asarray(_INV_FREQ)
    cos_t = jnp.cos(freqs)
    sin_t = jnp.sin(freqs)

    grid = (nt // BM,)
    q2d, key = pl.pallas_call(
        _indexer_kernel,
        grid=grid,
        in_specs=[
            pl.BlockSpec((BM, QLORA), lambda i: (i, 0)),
            pl.BlockSpec((BM, HIDDEN), lambda i: (i, 0)),
            pl.BlockSpec((BM, ROPE_DIM // 2), lambda i: (i, 0)),
            pl.BlockSpec((BM, ROPE_DIM // 2), lambda i: (i, 0)),
            pl.BlockSpec((QLORA, NHEADS * HEAD_DIM), lambda i: (0, 0)),
            pl.BlockSpec((HIDDEN, HEAD_DIM), lambda i: (0, 0)),
            pl.BlockSpec((1, HEAD_DIM), lambda i: (0, 0)),
            pl.BlockSpec((1, HEAD_DIM), lambda i: (0, 0)),
            pl.BlockSpec((HEAD_DIM, HEAD_DIM), lambda i: (0, 0)),
        ],
        out_specs=[
            pl.BlockSpec((BM, NHEADS * HEAD_DIM), lambda i: (i, 0)),
            pl.BlockSpec((BM, HEAD_DIM), lambda i: (i, 0)),
        ],
        out_shape=[
            jax.ShapeDtypeStruct((nt, NHEADS * HEAD_DIM), jnp.float32),
            jax.ShapeDtypeStruct((nt, HEAD_DIM), jnp.float32),
        ],
    )(q_lora, hidden_states, cos_t, sin_t, wq, wk, gam, bet,
      jnp.asarray(_H128, dtype=jnp.bfloat16))
    return q2d.reshape(nt, NHEADS, HEAD_DIM), key

# --- scband reference (transcript-rebuilt; emitter-appended) ---
"""Pipeline reference for scband-indexer-53626961658291 (READ-ONLY COPY).

The authoritative reference and input builder live on the scoring server;
editing this copy changes nothing except your own understanding.
"""

import jax, jax.numpy as jnp
import numpy as np

T = 8192
HIDDEN = 2048
NHEADS = 16
HEAD_DIM = 128
ROPE_DIM = 64
QLORA = 1536
ROPE_THETA = 10000.0


def _interleaved_to_half(x):
    # torch: unflatten(-1,(-1,2)).transpose(-1,-2).flatten(-2)
    return jnp.concatenate([x[..., 0::2], x[..., 1::2]], axis=-1)


def _apply_rope_half(x, positions):
    # x: (T, H, ROPE_DIM) in half (non-interleaved) layout
    half = ROPE_DIM // 2
    inv_freq = 1.0 / (ROPE_THETA ** (np.arange(0, ROPE_DIM, 2).astype(np.float32) / ROPE_DIM))
    freqs = positions.astype(jnp.float32)[:, None] * inv_freq  # (T, half)
    cos = jnp.cos(freqs)[:, None, :]
    sin = jnp.sin(freqs)[:, None, :]
    x1 = x[..., :half]
    x2 = x[..., half:]
    return jnp.concatenate([x1 * cos - x2 * sin, x2 * cos + x1 * sin], axis=-1)


def _hadamard_rotate(x):
    # fast Walsh-Hadamard transform over last dim with 1/sqrt(d) scaling
    d = x.shape[-1]
    orig_shape = x.shape
    y = x.reshape(-1, d)
    h = 1
    while h < d:
        y = y.reshape(-1, d // (2 * h), 2, h)
        a = y[:, :, 0, :]
        b = y[:, :, 1, :]
        y = jnp.stack([a + b, a - b], axis=2).reshape(-1, d)
        h *= 2
    return (y * (d ** -0.5)).reshape(orig_shape)


def setup_inputs(seed: int = 0) -> dict:
    key = jax.random.key(seed)
    ks = jax.random.split(key, 5)
    return {
        "q_lora": jax.random.normal(ks[0], (T, QLORA), dtype=jnp.float32),
        "hidden_states": jax.random.normal(ks[1], (T, HIDDEN), dtype=jnp.float32),
        "positions": jnp.arange(T, dtype=jnp.int32),
        "Wq_b": jax.random.normal(ks[2], (QLORA, NHEADS * HEAD_DIM), dtype=jnp.float32) * 0.02,
        "Wk": jax.random.normal(ks[3], (HIDDEN, HEAD_DIM), dtype=jnp.float32) * 0.02,
        "k_gamma": jnp.ones((HEAD_DIM,), dtype=jnp.float32),
        "k_beta": jnp.zeros((HEAD_DIM,), dtype=jnp.float32),
    }


def reference(q_lora, hidden_states, positions, Wq_b, Wk, k_gamma, k_beta):
    nt = q_lora.shape[0]
    # Q projection
    query = (q_lora @ Wq_b).reshape(nt, NHEADS, HEAD_DIM)
    # K projection + layernorm (k_norm)
    key = hidden_states @ Wk
    mu = key.mean(axis=-1, keepdims=True)
    var = ((key - mu) ** 2).mean(axis=-1, keepdims=True)
    key = (key - mu) / jnp.sqrt(var + 1e-5) * k_gamma + k_beta
    # RoPE on first ROPE_DIM dims, interleaved -> half then rotate
    q_rope = _interleaved_to_half(query[..., :ROPE_DIM])
    k_rope = _interleaved_to_half(key[:, None, :ROPE_DIM])
    q_rope = _apply_rope_half(q_rope, positions)
    k_rope = _apply_rope_half(k_rope, positions)
    query = jnp.concatenate([q_rope, query[..., ROPE_DIM:]], axis=-1)
    key = jnp.concatenate([k_rope[:, 0, :], key[:, ROPE_DIM:]], axis=-1)
    # Hadamard rotation
    query = _hadamard_rotate(query)
    key = _hadamard_rotate(key)
    return (query, key)

if __name__ == "__main__":
    import jax
    _d = setup_inputs()
    print(jax.jit(kernel)(*tuple(_d.values())))

</pallas_src>

<mosaic_0001>
module attributes {stable_mosaic.version = 14 : i64} {
  func.func @_indexer_kernel(%arg0: i32, %arg1: memref<256x1536xf32, #tpu.memory_space<vmem>>, %arg2: memref<256x2048xf32, #tpu.memory_space<vmem>>, %arg3: memref<256x32xf32, #tpu.memory_space<vmem>>, %arg4: memref<256x32xf32, #tpu.memory_space<vmem>>, %arg5: memref<1536x2048xbf16, #tpu.memory_space<vmem>>, %arg6: memref<2048x128xbf16, #tpu.memory_space<vmem>>, %arg7: memref<1x128xf32, #tpu.memory_space<vmem>>, %arg8: memref<1x128xf32, #tpu.memory_space<vmem>>, %arg9: memref<128x128xbf16, #tpu.memory_space<vmem>>, %arg10: memref<256x2048xf32, #tpu.memory_space<vmem>>, %arg11: memref<256x128xf32, #tpu.memory_space<vmem>>) attributes {dimension_semantics = [#tpu.dimension_semantics<arbitrary>], iteration_bounds = array<i64: 32>, scalar_prefetch = 0 : i64, scratch_operands = 0 : i64, tpu.core_type = #tpu.core_type<tc>, window_params = [{transform_indices = @transform_0, window_bounds = array<i64: 256, 1536>}, {transform_indices = @transform_1, window_bounds = array<i64: 256, 2048>}, {transform_indices = @transform_2, window_bounds = array<i64: 256, 32>}, {transform_indices = @transform_3, window_bounds = array<i64: 256, 32>}, {pipeline_mode = #tpu.pipeline_mode<synchronous>, transform_indices = @transform_4, window_bounds = array<i64: 1536, 2048>}, {pipeline_mode = #tpu.pipeline_mode<synchronous>, transform_indices = @transform_5, window_bounds = array<i64: 2048, 128>}, {pipeline_mode = #tpu.pipeline_mode<synchronous>, transform_indices = @transform_6, window_bounds = array<i64: 1, 128>}, {pipeline_mode = #tpu.pipeline_mode<synchronous>, transform_indices = @transform_7, window_bounds = array<i64: 1, 128>}, {pipeline_mode = #tpu.pipeline_mode<synchronous>, transform_indices = @transform_8, window_bounds = array<i64: 128, 128>}, {transform_indices = @transform_9, window_bounds = array<i64: 256, 2048>}, {transform_indices = @transform_10, window_bounds = array<i64: 256, 128>}]} {
    %get3A = arith.constant 0 : index
    %get3A_0 = arith.constant 0 : index
    %get3A_1 = vector.load %arg3[%get3A, %get3A_0] : memref<256x32xf32, #tpu.memory_space<vmem>>, vector<256x32xf32>
    %get3A_2 = arith.constant 0 : index
    %get3A_3 = arith.constant 0 : index
    %get3A_4 = vector.load %arg4[%get3A_2, %get3A_3] : memref<256x32xf32, #tpu.memory_space<vmem>>, vector<256x32xf32>
    %get3A_5 = arith.constant 0 : index
    %get3A_6 = arith.constant 0 : index
    %get3A_7 = vector.load %arg9[%get3A_5, %get3A_6] : memref<128x128xbf16, #tpu.memory_space<vmem>>, vector<128x128xbf16>
    %broadcast_in_dim3A = arith.constant 1.000000e+00 : f32
    %broadcast_in_dim3A_8 = vector.broadcast %broadcast_in_dim3A : f32 to vector<256x64xf32>
    %broadcast_in_dim3A_9 = arith.constant 0.000000e+00 : f32
    %broadcast_in_dim3A_10 = vector.broadcast %broadcast_in_dim3A_9 : f32 to vector<256x32xf32>
    %broadcast_in_dim3A_11 = arith.constant 0.000000e+00 : f32
    %broadcast_in_dim3A_12 = vector.broadcast %broadcast_in_dim3A_11 : f32 to vector<256x64xf32>
    %concatenate3A = tpu.concatenate %get3A_1, %get3A_1, %broadcast_in_dim3A_8 in 1 : vector<256x32xf32>, vector<256x32xf32>, vector<256x64xf32> -> vector<256x128xf32>
    %neg3A = arith.constant 0.000000e+00 : f32
    %neg3A_13 = vector.broadcast %neg3A : f32 to vector<256x32xf32>
    %neg3A_14 = arith.subf %neg3A_13, %get3A_4 : vector<256x32xf32>
    %concatenate3A_15 = tpu.concatenate %neg3A_14, %broadcast_in_dim3A_10, %broadcast_in_dim3A_12 in 1 : vector<256x32xf32>, vector<256x32xf32>, vector<256x64xf32> -> vector<256x128xf32>
    %concatenate3A_16 = tpu.concatenate %broadcast_in_dim3A_10, %get3A_4, %broadcast_in_dim3A_12 in 1 : vector<256x32xf32>, vector<256x32xf32>, vector<256x64xf32> -> vector<256x128xf32>
    %get3A_17 = arith.constant 0 : index
    %get3A_18 = arith.constant 0 : index
    %get3A_19 = vector.load %arg2[%get3A_17, %get3A_18] : memref<256x2048xf32, #tpu.memory_space<vmem>>, vector<256x2048xf32>
    %convert_element_type3A = arith.truncf %get3A_19 : vector<256x2048xf32> to vector<256x2048xbf16>
    %get3A_20 = arith.constant 0 : index
    %get3A_21 = arith.constant 0 : index
    %get3A_22 = vector.load %arg6[%get3A_20, %get3A_21] : memref<2048x128xbf16, #tpu.memory_space<vmem>>, vector<2048x128xbf16>
    %dot_general3A = arith.constant dense<0.000000e+00> : vector<256x128xf32>
    %dot_general3A_23 = tpu.matmul %convert_element_type3A, %get3A_22, %dot_general3A {dimension_numbers = #tpu.dot_dimension_numbers<[1], [0], [0], [1], [0, 0, 1, 1], [], []>, transpose_lhs_hint = false} : vector<256x2048xbf16>, vector<2048x128xbf16>, vector<256x128xf32> -> vector<256x128xf32>
    %reduce_sum3A = arith.constant dense<0.000000e+00> : vector<256xf32>
    %reduce_sum3A_24 = vector.multi_reduction <add>, %dot_general3A_23, %reduce_sum3A [1] : vector<256x128xf32> to vector<256xf32>
    %broadcast_in_dim3A_25 = vector.shape_cast %reduce_sum3A_24 : vector<256xf32> to vector<256x1xf32>
    %div3A = arith.constant 1.280000e+02 : f32
    %div3A_26 = vector.broadcast %div3A : f32 to vector<256x1xf32>
    %div3A_27 = arith.divf %broadcast_in_dim3A_25, %div3A_26 : vector<256x1xf32>
    %sub3A = vector.broadcast %div3A_27 : vector<256x1xf32> to vector<256x128xf32>
    %sub3A_28 = arith.subf %dot_general3A_23, %sub3A : vector<256x128xf32>
    %integer_pow3A = arith.mulf %sub3A_28, %sub3A_28 : vector<256x128xf32>
    %reduce_sum3A_29 = arith.constant dense<0.000000e+00> : vector<256xf32>
    %reduce_sum3A_30 = vector.multi_reduction <add>, %integer_pow3A, %reduce_sum3A_29 [1] : vector<256x128xf32> to vector<256xf32>
    %broadcast_in_dim3A_31 = vector.shape_cast %reduce_sum3A_30 : vector<256xf32> to vector<256x1xf32>
    %div3A_32 = arith.constant 1.280000e+02 : f32
    %div3A_33 = vector.broadcast %div3A_32 : f32 to vector<256x1xf32>
    %div3A_34 = arith.divf %broadcast_in_dim3A_31, %div3A_33 : vector<256x1xf32>
    %sub3A_35 = vector.broadcast %div3A_27 : vector<256x1xf32> to vector<256x128xf32>
    %sub3A_36 = arith.subf %dot_general3A_23, %sub3A_35 : vector<256x128xf32>
    %add3A = arith.constant 9.99999974E-6 : f32
    %add3A_37 = vector.broadcast %add3A : f32 to vector<256x1xf32>
    %add3A_38 = arith.addf %div3A_34, %add3A_37 : vector<256x1xf32>
    %rsqrt3A = math.rsqrt %add3A_38 : vector<256x1xf32>
    %mul3A = vector.broadcast %rsqrt3A : vector<256x1xf32> to vector<256x128xf32>
    %mul3A_39 = arith.mulf %sub3A_36, %mul3A : vector<256x128xf32>
    %get3A_40 = arith.constant 0 : index
    %get3A_41 = arith.constant 0 : index
    %get3A_42 = vector.load %arg7[%get3A_40, %get3A_41] : memref<1x128xf32, #tpu.memory_space<vmem>>, vector<1x128xf32>
    %mul3A_43 = vector.broadcast %get3A_42 : vector<1x128xf32> to vector<256x128xf32>
    %mul3A_44 = arith.mulf %mul3A_39, %mul3A_43 : vector<256x128xf32>
    %get3A_45 = arith.constant 0 : index
    %get3A_46 = arith.constant 0 : index
    %get3A_47 = vector.load %arg8[%get3A_45, %get3A_46] : memref<1x128xf32, #tpu.memory_space<vmem>>, vector<1x128xf32>
    %add3A_48 = vector.broadcast %get3A_47 : vector<1x128xf32> to vector<256x128xf32>
    %add3A_49 = arith.addf %mul3A_44, %add3A_48 : vector<256x128xf32>
    %slice3A = vector.extract_strided_slice %add3A_49 {offsets = [0, 32], sizes = [256, 96], strides = [1, 1]} : vector<256x128xf32> to vector<256x96xf32>
    %slice3A_50 = vector.extract_strided_slice %add3A_49 {offsets = [0, 0], sizes = [256, 32], strides = [1, 1]} : vector<256x128xf32> to vector<256x32xf32>
    %concatenate3A_51 = tpu.concatenate %slice3A, %slice3A_50 in 1 : vector<256x96xf32>, vector<256x32xf32> -> vector<256x128xf32>
    %slice3A_52 = vector.extract_strided_slice %add3A_49 {offsets = [0, 96], sizes = [256, 32], strides = [1, 1]} : vector<256x128xf32> to vector<256x32xf32>
    %slice3A_53 = vector.extract_strided_slice %add3A_49 {offsets = [0, 0], sizes = [256, 96], strides = [1, 1]} : vector<256x128xf32> to vector<256x96xf32>
    %concatenate3A_54 = tpu.concatenate %slice3A_52, %slice3A_53 in 1 : vector<256x32xf32>, vector<256x96xf32> -> vector<256x128xf32>
    %mul3A_55 = arith.mulf %add3A_49, %concatenate3A : vector<256x128xf32>
    %mul3A_56 = arith.mulf %concatenate3A_51, %concatenate3A_15 : vector<256x128xf32>
    %add3A_57 = arith.addf %mul3A_55, %mul3A_56 : vector<256x128xf32>
    %mul3A_58 = arith.mulf %concatenate3A_54, %concatenate3A_16 : vector<256x128xf32>
    %add3A_59 = arith.addf %add3A_57, %mul3A_58 : vector<256x128xf32>
    %convert_element_type3A_60 = arith.truncf %add3A_59 : vector<256x128xf32> to vector<256x128xbf16>
    %dot_general3A_61 = arith.constant dense<0.000000e+00> : vector<256x128xf32>
    %dot_general3A_62 = tpu.matmul %convert_element_type3A_60, %get3A_7, %dot_general3A_61 {dimension_numbers = #tpu.dot_dimension_numbers<[1], [0], [0], [1], [0, 0, 1, 1], [], []>, transpose_lhs_hint = false} : vector<256x128xbf16>, vector<128x128xbf16>, vector<256x128xf32> -> vector<256x128xf32>
    %mul3A_63 = arith.constant 0.0883883461 : f32
    %mul3A_64 = vector.broadcast %mul3A_63 : f32 to vector<256x128xf32>
    %mul3A_65 = arith.mulf %dot_general3A_62, %mul3A_64 : vector<256x128xf32>
    %swap3A = arith.constant 0 : index
    %swap3A_66 = arith.constant 0 : index
    %swap3A_67 = vector.load %arg11[%swap3A, %swap3A_66] : memref<256x128xf32, #tpu.memory_space<vmem>>, vector<256x128xf32>
    tpu.vector_store %arg11[%swap3A, %swap3A_66], %mul3A_65 {strides = array<i32>} : memref<256x128xf32, #tpu.memory_space<vmem>>, vector<256x128xf32>,
    %get3A_68 = arith.constant 0 : index
    %get3A_69 = arith.constant 0 : index
    %get3A_70 = vector.load %arg1[%get3A_68, %get3A_69] : memref<256x1536xf32, #tpu.memory_space<vmem>>, vector<256x1536xf32>
    %convert_element_type3A_71 = arith.truncf %get3A_70 : vector<256x1536xf32> to vector<256x1536xbf16>
    %get3A_72 = arith.constant 0 : index
    %get3A_73 = arith.constant 0 : index
    %get3A_74 = vector.load %arg5[%get3A_72, %get3A_73] : memref<1536x2048xbf16, #tpu.memory_space<vmem>>, vector<1536x2048xbf16>
    %dot_general3A_75 = arith.constant dense<0.000000e+00> : vector<256x2048xf32>
    %dot_general3A_76 = tpu.matmul %convert_element_type3A_71, %get3A_74, %dot_general3A_75 {dimension_numbers = #tpu.dot_dimension_numbers<[1], [0], [0], [1], [0, 0, 1, 1], [], []>, transpose_lhs_hint = false} : vector<256x1536xbf16>, vector<1536x2048xbf16>, vector<256x2048xf32> -> vector<256x2048xf32>
    %concatenate3A_77 = tpu.concatenate %concatenate3A, %concatenate3A, %concatenate3A, %concatenate3A, %concatenate3A, %concatenate3A, %concatenate3A, %concatenate3A, %concatenate3A, %concatenate3A, %concatenate3A, %concatenate3A, %concatenate3A, %concatenate3A, %concatenate3A, %concatenate3A in 1 : vector<256x128xf32>, vector<256x128xf32>, vector<256x128xf32>, vector<256x128xf32>, vector<256x128xf32>, vector<256x128xf32>, vector<256x128xf32>, vector<256x128xf32>, vector<256x128xf32>, vector<256x128xf32>, vector<256x128xf32>, vector<256x128xf32>, vector<256x128xf32>, vector<256x128xf32>, vector<256x128xf32>, vector<256x128xf32> -> vector<256x2048xf32>
    %concatenate3A_78 = tpu.concatenate %concatenate3A_15, %concatenate3A_15, %concatenate3A_15, %concatenate3A_15, %concatenate3A_15, %concatenate3A_15, %concatenate3A_15, %concatenate3A_15, %concatenate3A_15, %concatenate3A_15, %concatenate3A_15, %concatenate3A_15, %concatenate3A_15, %concatenate3A_15, %concatenate3A_15, %concatenate3A_15 in 1 : vector<256x128xf32>, vector<256x128xf32>, vector<256x128xf32>, vector<256x128xf32>, vector<256x128xf32>, vector<256x128xf32>, vector<256x128xf32>, vector<256x128xf32>, vector<256x128xf32>, vector<256x128xf32>, vector<256x128xf32>, vector<256x128xf32>, vector<256x128xf32>, vector<256x128xf32>, vector<256x128xf32>, vector<256x128xf32> -> vector<256x2048xf32>
    %concatenate3A_79 = tpu.concatenate %concatenate3A_16, %concatenate3A_16, %concatenate3A_16, %concatenate3A_16, %concatenate3A_16, %concatenate3A_16, %concatenate3A_16, %concatenate3A_16, %concatenate3A_16, %concatenate3A_16, %concatenate3A_16, %concatenate3A_16, %concatenate3A_16, %concatenate3A_16, %concatenate3A_16, %concatenate3A_16 in 1 : vector<256x128xf32>, vector<256x128xf32>, vector<256x128xf32>, vector<256x128xf32>, vector<256x128xf32>, vector<256x128xf32>, vector<256x128xf32>, vector<256x128xf32>, vector<256x128xf32>, vector<256x128xf32>, vector<256x128xf32>, vector<256x128xf32>, vector<256x128xf32>, vector<256x128xf32>, vector<256x128xf32>, vector<256x128xf32> -> vector<256x2048xf32>
    %slice3A_80 = vector.extract_strided_slice %dot_general3A_76 {offsets = [0, 32], sizes = [256, 2016], strides = [1, 1]} : vector<256x2048xf32> to vector<256x2016xf32>
    %slice3A_81 = vector.extract_strided_slice %dot_general3A_76 {offsets = [0, 0], sizes = [256, 32], strides = [1, 1]} : vector<256x2048xf32> to vector<256x32xf32>
    %concatenate3A_82 = tpu.concatenate %slice3A_80, %slice3A_81 in 1 : vector<256x2016xf32>, vector<256x32xf32> -> vector<256x2048xf32>
    %slice3A_83 = vector.extract_strided_slice %dot_general3A_76 {offsets = [0, 2016], sizes = [256, 32], strides = [1, 1]} : vector<256x2048xf32> to vector<256x32xf32>
    %slice3A_84 = vector.extract_strided_slice %dot_general3A_76 {offsets = [0, 0], sizes = [256, 2016], strides = [1, 1]} : vector<256x2048xf32> to vector<256x2016xf32>
    %concatenate3A_85 = tpu.concatenate %slice3A_83, %slice3A_84 in 1 : vector<256x32xf32>, vector<256x2016xf32> -> vector<256x2048xf32>
    %mul3A_86 = arith.mulf %dot_general3A_76, %concatenate3A_77 : vector<256x2048xf32>
    %mul3A_87 = arith.mulf %concatenate3A_82, %concatenate3A_78 : vector<256x2048xf32>
    %add3A_88 = arith.addf %mul3A_86, %mul3A_87 : vector<256x2048xf32>
    %mul3A_89 = arith.mulf %concatenate3A_85, %concatenate3A_79 : vector<256x2048xf32>
    %add3A_90 = arith.addf %add3A_88, %mul3A_89 : vector<256x2048xf32>
    %convert_element_type3A_91 = arith.truncf %add3A_90 : vector<256x2048xf32> to vector<256x2048xbf16>
    %slice3A_92 = vector.extract_strided_slice %convert_element_type3A_91 {offsets = [0, 0], sizes = [256, 128], strides = [1, 1]} : vector<256x2048xbf16> to vector<256x128xbf16>
    %dot_general3A_93 = arith.constant dense<0.000000e+00> : vector<256x128xf32>
    %dot_general3A_94 = tpu.matmul %slice3A_92, %get3A_7, %dot_general3A_93 {dimension_numbers = #tpu.dot_dimension_numbers<[1], [0], [0], [1], [0, 0, 1, 1], [], []>, transpose_lhs_hint = false} : vector<256x128xbf16>, vector<128x128xbf16>, vector<256x128xf32> -> vector<256x128xf32>
    %mul3A_95 = arith.constant 0.0883883461 : f32
    %mul3A_96 = vector.broadcast %mul3A_95 : f32 to vector<256x128xf32>
    %mul3A_97 = arith.mulf %dot_general3A_94, %mul3A_96 : vector<256x128xf32>
    %slice3A_98 = vector.extract_strided_slice %convert_element_type3A_91 {offsets = [0, 128], sizes = [256, 128], strides = [1, 1]} : vector<256x2048xbf16> to vector<256x128xbf16>
    %dot_general3A_99 = arith.constant dense<0.000000e+00> : vector<256x128xf32>
    %dot_general3A_100 = tpu.matmul %slice3A_98, %get3A_7, %dot_general3A_99 {dimension_numbers = #tpu.dot_dimension_numbers<[1], [0], [0], [1], [0, 0, 1, 1], [], []>, transpose_lhs_hint = false} : vector<256x128xbf16>, vector<128x128xbf16>, vector<256x128xf32> -> vector<256x128xf32>
    %mul3A_101 = arith.constant 0.0883883461 : f32
    %mul3A_102 = vector.broadcast %mul3A_101 : f32 to vector<256x128xf32>
    %mul3A_103 = arith.mulf %dot_general3A_100, %mul3A_102 : vector<256x128xf32>
    %slice3A_104 = vector.extract_strided_slice %convert_element_type3A_91 {offsets = [0, 256], sizes = [256, 128], strides = [1, 1]} : vector<256x2048xbf16> to vector<256x128xbf16>
    %dot_general3A_105 = arith.constant dense<0.000000e+00> : vector<256x128xf32>
    %dot_general3A_106 = tpu.matmul %slice3A_104, %get3A_7, %dot_general3A_105 {dimension_numbers = #tpu.dot_dimension_numbers<[1], [0], [0], [1], [0, 0, 1, 1], [], []>, transpose_lhs_hint = false} : vector<256x128xbf16>, vector<128x128xbf16>, vector<256x128xf32> -> vector<256x128xf32>
    %mul3A_107 = arith.constant 0.0883883461 : f32
    %mul3A_108 = vector.broadcast %mul3A_107 : f32 to vector<256x128xf32>
    %mul3A_109 = arith.mulf %dot_general3A_106, %mul3A_108 : vector<256x128xf32>
    %slice3A_110 = vector.extract_strided_slice %convert_element_type3A_91 {offsets = [0, 384], sizes = [256, 128], strides = [1, 1]} : vector<256x2048xbf16> to vector<256x128xbf16>
    %dot_general3A_111 = arith.constant dense<0.000000e+00> : vector<256x128xf32>
    %dot_general3A_112 = tpu.matmul %slice3A_110, %get3A_7, %dot_general3A_111 {dimension_numbers = #tpu.dot_dimension_numbers<[1], [0], [0], [1], [0, 0, 1, 1], [], []>, transpose_lhs_hint = false} : vector<256x128xbf16>, vector<128x128xbf16>, vector<256x128xf32> -> vector<256x128xf32>
    %mul3A_113 = arith.constant 0.0883883461 : f32
    %mul3A_114 = vector.broadcast %mul3A_113 : f32 to vector<256x128xf32>
    %mul3A_115 = arith.mulf %dot_general3A_112, %mul3A_114 : vector<256x128xf32>
    %slice3A_116 = vector.extract_strided_slice %convert_element_type3A_91 {offsets = [0, 512], sizes = [256, 128], strides = [1, 1]} : vector<256x2048xbf16> to vector<256x128xbf16>
    %dot_general3A_117 = arith.constant dense<0.000000e+00> : vector<256x128xf32>
    %dot_general3A_118 = tpu.matmul %slice3A_116, %get3A_7, %dot_general3A_117 {dimension_numbers = #tpu.dot_dimension_numbers<[1], [0], [0], [1], [0, 0, 1, 1], [], []>, transpose_lhs_hint = false} : vector<256x128xbf16>, vector<128x128xbf16>, vector<256x128xf32> -> vector<256x128xf32>
    %mul3A_119 = arith.constant 0.0883883461 : f32
    %mul3A_120 = vector.broadcast %mul3A_119 : f32 to vector<256x128xf32>
    %mul3A_121 = arith.mulf %dot_general3A_118, %mul3A_120 : vector<256x128xf32>
    %slice3A_122 = vector.extract_strided_slice %convert_element_type3A_91 {offsets = [0, 640], sizes = [256, 128], strides = [1, 1]} : vector<256x2048xbf16> to vector<256x128xbf16>
    %dot_general3A_123 = arith.constant dense<0.000000e+00> : vector<256x128xf32>
    %dot_general3A_124 = tpu.matmul %slice3A_122, %get3A_7, %dot_general3A_123 {dimension_numbers = #tpu.dot_dimension_numbers<[1], [0], [0], [1], [0, 0, 1, 1], [], []>, transpose_lhs_hint = false} : vector<256x128xbf16>, vector<128x128xbf16>, vector<256x128xf32> -> vector<256x128xf32>
    %mul3A_125 = arith.constant 0.0883883461 : f32
    %mul3A_126 = vector.broadcast %mul3A_125 : f32 to vector<256x128xf32>
    %mul3A_127 = arith.mulf %dot_general3A_124, %mul3A_126 : vector<256x128xf32>
    %slice3A_128 = vector.extract_strided_slice %convert_element_type3A_91 {offsets = [0, 768], sizes = [256, 128], strides = [1, 1]} : vector<256x2048xbf16> to vector<256x128xbf16>
    %dot_general3A_129 = arith.constant dense<0.000000e+00> : vector<256x128xf32>
    %dot_general3A_130 = tpu.matmul %slice3A_128, %get3A_7, %dot_general3A_129 {dimension_numbers = #tpu.dot_dimension_numbers<[1], [0], [0], [1], [0, 0, 1, 1], [], []>, transpose_lhs_hint = false} : vector<256x128xbf16>, vector<128x128xbf16>, vector<256x128xf32> -> vector<256x128xf32>
    %mul3A_131 = arith.constant 0.0883883461 : f32
    %mul3A_132 = vector.broadcast %mul3A_131 : f32 to vector<256x128xf32>
    %mul3A_133 = arith.mulf %dot_general3A_130, %mul3A_132 : vector<256x128xf32>
    %slice3A_134 = vector.extract_strided_slice %convert_element_type3A_91 {offsets = [0, 896], sizes = [256, 128], strides = [1, 1]} : vector<256x2048xbf16> to vector<256x128xbf16>
    %dot_general3A_135 = arith.constant dense<0.000000e+00> : vector<256x128xf32>
    %dot_general3A_136 = tpu.matmul %slice3A_134, %get3A_7, %dot_general3A_135 {dimension_numbers = #tpu.dot_dimension_numbers<[1], [0], [0], [1], [0, 0, 1, 1], [], []>, transpose_lhs_hint = false} : vector<256x128xbf16>, vector<128x128xbf16>, vector<256x128xf32> -> vector<256x128xf32>
    %mul3A_137 = arith.constant 0.0883883461 : f32
    %mul3A_138 = vector.broadcast %mul3A_137 : f32 to vector<256x128xf32>
    %mul3A_139 = arith.mulf %dot_general3A_136, %mul3A_138 : vector<256x128xf32>
    %slice3A_140 = vector.extract_strided_slice %convert_element_type3A_91 {offsets = [0, 1024], sizes = [256, 128], strides = [1, 1]} : vector<256x2048xbf16> to vector<256x128xbf16>
    %dot_general3A_141 = arith.constant dense<0.000000e+00> : vector<256x128xf32>
    %dot_general3A_142 = tpu.matmul %slice3A_140, %get3A_7, %dot_general3A_141 {dimension_numbers = #tpu.dot_dimension_numbers<[1], [0], [0], [1], [0, 0, 1, 1], [], []>, transpose_lhs_hint = false} : vector<256x128xbf16>, vector<128x128xbf16>, vector<256x128xf32> -> vector<256x128xf32>
    %mul3A_143 = arith.constant 0.0883883461 : f32
    %mul3A_144 = vector.broadcast %mul3A_143 : f32 to vector<256x128xf32>
    %mul3A_145 = arith.mulf %dot_general3A_142, %mul3A_144 : vector<256x128xf32>
    %slice3A_146 = vector.extract_strided_slice %convert_element_type3A_91 {offsets = [0, 1152], sizes = [256, 128], strides = [1, 1]} : vector<256x2048xbf16> to vector<256x128xbf16>
    %dot_general3A_147 = arith.constant dense<0.000000e+00> : vector<256x128xf32>
    %dot_general3A_148 = tpu.matmul %slice3A_146, %get3A_7, %dot_general3A_147 {dimension_numbers = #tpu.dot_dimension_numbers<[1], [0], [0], [1], [0, 0, 1, 1], [], []>, transpose_lhs_hint = false} : vector<256x128xbf16>, vector<128x128xbf16>, vector<256x128xf32> -> vector<256x128xf32>
    %mul3A_149 = arith.constant 0.0883883461 : f32
    %mul3A_150 = vector.broadcast %mul3A_149 : f32 to vector<256x128xf32>
    %mul3A_151 = arith.mulf %dot_general3A_148, %mul3A_150 : vector<256x128xf32>
    %slice3A_152 = vector.extract_strided_slice %convert_element_type3A_91 {offsets = [0, 1280], sizes = [256, 128], strides = [1, 1]} : vector<256x2048xbf16> to vector<256x128xbf16>
    %dot_general3A_153 = arith.constant dense<0.000000e+00> : vector<256x128xf32>
    %dot_general3A_154 = tpu.matmul %slice3A_152, %get3A_7, %dot_general3A_153 {dimension_numbers = #tpu.dot_dimension_numbers<[1], [0], [0], [1], [0, 0, 1, 1], [], []>, transpose_lhs_hint = false} : vector<256x128xbf16>, vector<128x128xbf16>, vector<256x128xf32> -> vector<256x128xf32>
    %mul3A_155 = arith.constant 0.0883883461 : f32
    %mul3A_156 = vector.broadcast %mul3A_155 : f32 to vector<256x128xf32>
    %mul3A_157 = arith.mulf %dot_general3A_154, %mul3A_156 : vector<256x128xf32>
    %slice3A_158 = vector.extract_strided_slice %convert_element_type3A_91 {offsets = [0, 1408], sizes = [256, 128], strides = [1, 1]} : vector<256x2048xbf16> to vector<256x128xbf16>
    %dot_general3A_159 = arith.constant dense<0.000000e+00> : vector<256x128xf32>
    %dot_general3A_160 = tpu.matmul %slice3A_158, %get3A_7, %dot_general3A_159 {dimension_numbers = #tpu.dot_dimension_numbers<[1], [0], [0], [1], [0, 0, 1, 1], [], []>, transpose_lhs_hint = false} : vector<256x128xbf16>, vector<128x128xbf16>, vector<256x128xf32> -> vector<256x128xf32>
    %mul3A_161 = arith.constant 0.0883883461 : f32
    %mul3A_162 = vector.broadcast %mul3A_161 : f32 to vector<256x128xf32>
    %mul3A_163 = arith.mulf %dot_general3A_160, %mul3A_162 : vector<256x128xf32>
    %slice3A_164 = vector.extract_strided_slice %convert_element_type3A_91 {offsets = [0, 1536], sizes = [256, 128], strides = [1, 1]} : vector<256x2048xbf16> to vector<256x128xbf16>
    %dot_general3A_165 = arith.constant dense<0.000000e+00> : vector<256x128xf32>
    %dot_general3A_166 = tpu.matmul %slice3A_164, %get3A_7, %dot_general3A_165 {dimension_numbers = #tpu.dot_dimension_numbers<[1], [0], [0], [1], [0, 0, 1, 1], [], []>, transpose_lhs_hint = false} : vector<256x128xbf16>, vector<128x128xbf16>, vector<256x128xf32> -> vector<256x128xf32>
    %mul3A_167 = arith.constant 0.0883883461 : f32
    %mul3A_168 = vector.broadcast %mul3A_167 : f32 to vector<256x128xf32>
    %mul3A_169 = arith.mulf %dot_general3A_166, %mul3A_168 : vector<256x128xf32>
    %slice3A_170 = vector.extract_strided_slice %convert_element_type3A_91 {offsets = [0, 1664], sizes = [256, 128], strides = [1, 1]} : vector<256x2048xbf16> to vector<256x128xbf16>
    %dot_general3A_171 = arith.constant dense<0.000000e+00> : vector<256x128xf32>
    %dot_general3A_172 = tpu.matmul %slice3A_170, %get3A_7, %dot_general3A_171 {dimension_numbers = #tpu.dot_dimension_numbers<[1], [0], [0], [1], [0, 0, 1, 1], [], []>, transpose_lhs_hint = false} : vector<256x128xbf16>, vector<128x128xbf16>, vector<256x128xf32> -> vector<256x128xf32>
    %mul3A_173 = arith.constant 0.0883883461 : f32
    %mul3A_174 = vector.broadcast %mul3A_173 : f32 to vector<256x128xf32>
    %mul3A_175 = arith.mulf %dot_general3A_172, %mul3A_174 : vector<256x128xf32>
    %slice3A_176 = vector.extract_strided_slice %convert_element_type3A_91 {offsets = [0, 1792], sizes = [256, 128], strides = [1, 1]} : vector<256x2048xbf16> to vector<256x128xbf16>
    %dot_general3A_177 = arith.constant dense<0.000000e+00> : vector<256x128xf32>
    %dot_general3A_178 = tpu.matmul %slice3A_176, %get3A_7, %dot_general3A_177 {dimension_numbers = #tpu.dot_dimension_numbers<[1], [0], [0], [1], [0, 0, 1, 1], [], []>, transpose_lhs_hint = false} : vector<256x128xbf16>, vector<128x128xbf16>, vector<256x128xf32> -> vector<256x128xf32>
    %mul3A_179 = arith.constant 0.0883883461 : f32
    %mul3A_180 = vector.broadcast %mul3A_179 : f32 to vector<256x128xf32>
    %mul3A_181 = arith.mulf %dot_general3A_178, %mul3A_180 : vector<256x128xf32>
    %slice3A_182 = vector.extract_strided_slice %convert_element_type3A_91 {offsets = [0, 1920], sizes = [256, 128], strides = [1, 1]} : vector<256x2048xbf16> to vector<256x128xbf16>
    %dot_general3A_183 = arith.constant dense<0.000000e+00> : vector<256x128xf32>
    %dot_general3A_184 = tpu.matmul %slice3A_182, %get3A_7, %dot_general3A_183 {dimension_numbers = #tpu.dot_dimension_numbers<[1], [0], [0], [1], [0, 0, 1, 1], [], []>, transpose_lhs_hint = false} : vector<256x128xbf16>, vector<128x128xbf16>, vector<256x128xf32> -> vector<256x128xf32>
    %mul3A_185 = arith.constant 0.0883883461 : f32
    %mul3A_186 = vector.broadcast %mul3A_185 : f32 to vector<256x128xf32>
    %mul3A_187 = arith.mulf %dot_general3A_184, %mul3A_186 : vector<256x128xf32>
    %concatenate3A_188 = tpu.concatenate %mul3A_97, %mul3A_103, %mul3A_109, %mul3A_115, %mul3A_121, %mul3A_127, %mul3A_133, %mul3A_139, %mul3A_145, %mul3A_151, %mul3A_157, %mul3A_163, %mul3A_169, %mul3A_175, %mul3A_181, %mul3A_187 in 1 : vector<256x128xf32>, vector<256x128xf32>, vector<256x128xf32>, vector<256x128xf32>, vector<256x128xf32>, vector<256x128xf32>, vector<256x128xf32>, vector<256x128xf32>, vector<256x128xf32>, vector<256x128xf32>, vector<256x128xf32>, vector<256x128xf32>, vector<256x128xf32>, vector<256x128xf32>, vector<256x128xf32>, vector<256x128xf32> -> vector<256x2048xf32>
    %swap3A_189 = arith.constant 0 : index
    %swap3A_190 = arith.constant 0 : index
    %swap3A_191 = vector.load %arg10[%swap3A_189, %swap3A_190] : memref<256x2048xf32, #tpu.memory_space<vmem>>, vector<256x2048xf32>
    tpu.vector_store %arg10[%swap3A_189, %swap3A_190], %concatenate3A_188 {strides = array<i32>} : memref<256x2048xf32, #tpu.memory_space<vmem>>, vector<256x2048xf32>,
    return
  }
  func.func @transform_0(%arg0: i32) -> (i32, i32) {
    %c0_i32 = arith.constant 0 : i32
    %c0_i32_0 = arith.constant 0 : i32
    return %arg0, %c0_i32 : i32, i32
  }
  func.func @transform_1(%arg0: i32) -> (i32, i32) {
    %c0_i32 = arith.constant 0 : i32
    %c0_i32_0 = arith.constant 0 : i32
    return %arg0, %c0_i32 : i32, i32
  }
  func.func @transform_2(%arg0: i32) -> (i32, i32) {
    %c0_i32 = arith.constant 0 : i32
    %c0_i32_0 = arith.constant 0 : i32
    return %arg0, %c0_i32 : i32, i32
  }
  func.func @transform_3(%arg0: i32) -> (i32, i32) {
    %c0_i32 = arith.constant 0 : i32
    %c0_i32_0 = arith.constant 0 : i32
    return %arg0, %c0_i32 : i32, i32
  }
  func.func @transform_4(%arg0: i32) -> (i32, i32) {
    %c0_i32 = arith.constant 0 : i32
    %c0_i32_0 = arith.constant 0 : i32
    %c0_i32_1 = arith.constant 0 : i32
    return %c0_i32, %c0_i32_0 : i32, i32
  }
  func.func @transform_5(%arg0: i32) -> (i32, i32) {
    %c0_i32 = arith.constant 0 : i32
    %c0_i32_0 = arith.constant 0 : i32
    %c0_i32_1 = arith.constant 0 : i32
    return %c0_i32, %c0_i32_0 : i32, i32
  }
  func.func @transform_6(%arg0: i32) -> (i32, i32) {
    %c0_i32 = arith.constant 0 : i32
    %c0_i32_0 = arith.constant 0 : i32
    %c0_i32_1 = arith.constant 0 : i32
    return %c0_i32, %c0_i32_0 : i32, i32
  }
  func.func @transform_7(%arg0: i32) -> (i32, i32) {
    %c0_i32 = arith.constant 0 : i32
    %c0_i32_0 = arith.constant 0 : i32
    %c0_i32_1 = arith.constant 0 : i32
    return %c0_i32, %c0_i32_0 : i32, i32
  }
  func.func @transform_8(%arg0: i32) -> (i32, i32) {
    %c0_i32 = arith.constant 0 : i32
    %c0_i32_0 = arith.constant 0 : i32
    %c0_i32_1 = arith.constant 0 : i32
    return %c0_i32, %c0_i32_0 : i32, i32
  }
  func.func @transform_9(%arg0: i32) -> (i32, i32) {
    %c0_i32 = arith.constant 0 : i32
    %c0_i32_0 = arith.constant 0 : i32
    return %arg0, %c0_i32 : i32, i32
  }
  func.func @transform_10(%arg0: i32) -> (i32, i32) {
    %c0_i32 = arith.constant 0 : i32
    %c0_i32_0 = arith.constant 0 : i32
    return %arg0, %c0_i32 : i32, i32
  }
}

</mosaic_0001>

<sc_bundles>
// kernel: sparse-core-data-format-call.cloned.1.call-start
scs
called_computation_lowered:
.L_overlay_start_0:
0x0: {  	s2 =	sld [smem:$0x3FD9]  }
0x1: {  	s3 =	sld [smem:$0x3FFE];
	_ =	sdelay $0x1  }
0x2: {  	s1 =	srdreg.scid  }
0x3: {  	s0 =	sand.u32 $0x1, s1  }
0x4: {  	s15 =	sshll.u32 s0, $0xA;
	s2 =	sadd.s32 s3, s2  }
0x5: {  	s2 =	sadd.s32 s2, s15  }
0x6: {  	[smem:$0x3FC1] =	sst s2  }
0x7: {  	_ = 	snop  }
0x8: {  	s2 =	sld [smem:$0x3FD0];
	_ =	sdelay $0x2  }
0x9: {  	s16 =	simm.s32 $0xA;
	s4 =	simm.s32 $0x10  }
0xa: {  	[smem:s4], [sflag:s16] =	dma.local [hbm:s2], $0x1  }
0xb: {  	_ =	swait.eq [sflag:s16], $0x1  }
0xc: {  	[sflag:s16] =	ssyncset.done $0x0  }
0xd: {  	[sflag:s16] =	ssyncadd.s32 $0xFFFFFFFF  }
0xe: {  	s17 =	sld [smem:$0x10];
	(tm) =	ssettm $0x1  }
0xf: {  	s18 =	sld [smem:$0x3FFB];
	_ =	sdelay $0x3  }
0x10: {  	_ =	strace s18  }
0x11: {  	s3 =	sld [smem:$0x3FFC];
	_ =	sdelay $0x3  }
0x12: {  	_ =	strace s3  }
0x13: {  	s3 =	sld [smem:$0x3FFD];
	_ =	sdelay $0x3  }
0x14: {  	_ =	strace s3  }
0x15: {  	_ =	strace $0x8FFFFFFF  }
0x16: {  	s19 =	sld [smem:$0x3FDB];
	_ =	sdelay $0x1  }
0x17: {  	s20 =	simm.s32 $_scs_section_size  }
0x18: {  	s5 =	simm.s32 $_size__tile_overlayer_lowered;
	s6 =	simm.s32 $_tile_overlayer_lowered  }
0x19: {  	s23 =	simm.s32 $0x1BFF;
	s22 =	sshll.u32 s6, $0x1;
	s3 =	sadd.s32 s20, s19  }
0x1a: {  	s7 =	simm.s32 $0x0;
	s21 =	sshll.u32 s5, $0x1;
	s5 =	sadd.s32 s22, s3  }
0x1b: {  	[timem:s7], [sflag:s23] =	dma.local [hbm:s5], s21  }
0x1c: {  	_ =	swait.ge [sflag:s23], s21  }
0x1d: {  	s4 =	ssub.s32 $0x0, s21;
	[sflag:s23] =	ssyncset.done $0x0  }
0x1e: {  	[sflag:s23] =	ssyncadd.s32 s4;
	_ =	sdelay $0x1  }
0x1f: {  	s24 =	simm.s32 $0x1B8B  }
0x20: {  	_ =	swait.ge [sflag:s24], $0x1  }
0x21: {  	[sflag:s24] =	ssyncset.done $0x0  }
0x22: {  	s26 =	simm.s32 $0x1B8E;
	s25 =	sld [smem:$0x3FFE];
	[sflag:s24] =	ssyncadd.s32 $0xFFFFFFFF  }
0x23: {  	s27 =	simm.s32 $execute0_lowered;
	[smem:$0x3FD2] =	sst s26  }
0x24: {  	s5 =	sshll.u32 s27, $0x1;
	_ =	strace $0x80000046;
	[dreg:$0x1] =	wrdreg $0xFFFFFFFF  }
0x25: {  	s28 =	simm.s32 $_size_execute0_lowered;
	s3 =	sadd.s32 s3, s5;
	[dreg:$0x0] =	wrdreg $0x0  }
0x26: {  	s5 =	sshll.u32 s28, $0x1;
	[dreg:$0x2] =	wrdreg s3  }
0x27: {  	[dreg:$0x3] =	wrdreg s5  }
0x28: {  	[dreg:$0x4] =	wrdreg $0xC0  }
0x29: {  	_ =	task [dreg:s7], $0x5FFFF  }
0x2a: {  	[dreg:$0x1] =	wrdreg $0xFFFFFFFF  }
0x2b: {  	[dreg:$0x0] =	wrdreg $0x60  }
0x2c: {  	[dreg:$0x2] =	wrdreg s25  }
0x2d: {  	[dreg:$0x3] =	wrdreg s17  }
0x2e: {  	[dreg:$0x4] =	wrdreg $0x9  }
0x2f: {  	_ =	task.clear_ibuf [dreg:s7], $0x5FFFF;
	_ =	strace $0x90000046  }
0x30: {  	s29 =	simm.s32 $0x9;
	_ =	strace $0x80000048  }
0x31: {  	_ =	swait.ge [sflag:s29], $0x1  }
0x32: {  	[sflag:s29] =	ssyncadd.s32 $0xFFFFFFFF  }
0x33: {  	_ =	strace $0x90000048  }
0x34: {  	_ =	sfence  }
0x35: {  	s30 =	sld [smem:$0x0];
	_ =	sdelay $0x2  }
0x36: {  	s31 =	sshll.u32 s1, $0xD;
	s1 =	sshrl.u32 s1, $0x2  }
0x37: {  	s3 =	sand.u32 $0x4000, s31;
	s1 =	sadd.s32 s1, s30  }
0x38: {  	s0 =	sor.u32 s3, s0;
	s1 =	sshll.u32 s1, $0x11  }
0x39: {  	s0 =	sor.u32 s1, s0  }
0x3a: {  	s0 =	sadd.s32 $0x8F2B, s0  }
0x3b: {  	[sflag:s0] =	ssyncadd.remote.s32 $0x1  }
0x3c: {  	_ =	sfence.sel $0xFFFF  }
0x3d: {  	[dreg:$0x0] =	wrdreg $0xFFFFFFFF;
	(pc) =	sbr.abs _section_cstart, $3  }
0x3e: {  	[dreg:$0x1] =	wrdreg $0xFFFFFFFF  }
0x3f: {  	_ =	task.clear_ibuf [dreg:s7], $0x2FFFF;
	_ =	strace $0x9FFFFFFF  }
0x40: {  	(tm) =	ssettm $0x7FFFFFFF  }
0x41: {  	_ =	shalt  }
tec
execute0_lowered:
.L_overlay_start_1:
0x0: {  	(tag) =	ssettag $0x1  }
0x1: {  	s1 =	rddreg [dreg:$0x0]  }
0x2: {  	s2 =	rddreg [dreg:$0x1]  }
0x3: {  	s0 =	rddreg [dreg:$0x2];
	_ =	strace $0x80000047;
	s4 =	srdreg.scid  }
.Ltmp0:
0x4: {  	s6 =	simm.s32 $0x2;
	p0 =	por $0x0, $0x0;
	(pc) =	sbr.rel .LBB1_1-.Ltmp0, $4  }
0x5: {  	s9 =	simm.s32 $0x0;
	s3 =	sadd.s32 $0x1000, s1;
	s5 =	sshll.u32 s4, $0x4  }
0x6: {  	s1 =	stileid.u32;
	s4 =	simm.s32 $0x1;
	s5 =	sand.u32 $0x10, s5  }
0x7: {  	s7 =	simm.s32 $0x0;
	[sflag:s4] =	ssyncpa.u1 $0x0;
	s5 =	sor.u32 s1, s5  }
0x8: {  	[sflag:s6] =	ssyncpa.u1 $0x0;
	s6 =	simm.s32 $0x0;
	s8 =	smov.u32 s5  }
.LBB1_7:
0x9: {  	s11 =	sadd.s32 $0x20, s8  }
0xa: {  	p1 =	slt.u32 s7, $0x2;
	s7 =	sadd.s32 $0x1, s7;
	p2 =	sgt.s32 s11, $0x3FF  }
0xb: {  	s11 =	smov.u32 @p2 s5;
	p2 =	sne.s32 s7, $0x22  }
.Ltmp1:
0xc: {  	_ = 	snop;
	(pc) =	sbr.rel @!p2 .LBB1_8-.Ltmp1, $4  }
0xd: {  	s10 =	simm.s32 @!p1 $0x2  }
0xe: {  	_ =	swait.ge @!p1 [sflag:s10], $0x4000  }
0xf: {  	s9 =	smov.u32 s8;
	[sflag:s10] =	ssyncset.done @!p1 $0x0  }
0x10: {  	p0 =	por !p0, !p0;
	s8 =	smov.u32 s11;
	[sflag:s10] =	ssyncadd.s32 @!p1 $0xFFFFC000  }
.LBB1_1:
0x11: {  	p1 =	sgt.u32 s7, $0x1F  }
0x12: {  	s10 =	sxor.u32 @!p1 $0xFFFFFFFF, s7  }
0x13: {  	s11 =	sshll.u32 @!p1 s8, $0xB;
	s10 =	sshll.u32 @!p1 s10, $0xE  }
0x14: {  	s12 =	simm.s32 @!p1 $0x0;
	s11 =	sadd.s32 @!p1 s3, s11;
	s10 =	sand.u32 @!p1 $0x4000, s10  }
0x15: {  	[tilespmem:s10], [sflag:$0x1] =	stream.linear.gather @!p1 [hbm4b:s11+s12], $0x4000, $0x38;
	[tilespmem:$0x10000] =	vst v63  }
0x16: {  	p1 =	seq.s32 s7, $0x0  }
0x17: {  	p2 =	seq.s32 @!p1 s7, $0x21  }
0x18: {  	p1 =	por p1, p2  }
.Ltmp2:
0x19: {  	_ = 	snop;
	(pc) =	sbr.rel @p1 .LBB1_7-.Ltmp2, $1  }
0x1a: {  	_ =	sdelay $0x3  }
0x1b: {  	s10 =	simm.s32 $0x1;
	_ =	swait.ge [sflag:s4], $0x4000;
	s12 =	sshll.u32 s7, $0xE  }
0x1c: {  	s13 =	simm.s32 $0x0;
	s10 =	simm.s32 @!p0 $0x0;
	[sflag:s4] =	ssyncset.done $0x0  }
0x1d: {  	s12 =	sand.u32 $0x4000, s12;
	s11 =	sshll.u32 s10, $0xE;
	[sflag:s4] =	ssyncadd.s32 $0xFFFFC000  }
0x1e: {  	s12 =	sor.u32 $0x8000, s12;
	s10 =	sor.u32 $0x8040, s11;
	s11 =	sor.u32 $0x40, s11  }
.LBB1_3:
0x1f: {  	v0 =	vmov s11;
	_ =	sdelay $0x3  }
0x20: {  	s15 =	simm.s32 $0x0  }
0x21: {  	v6 =	vld.idx.msk [tilespmem:v0+s15+$0x30 ss:$0x1], $0xffff  }
0x22: {  	v7 =	vld.idx.msk [tilespmem:v0+s15+$0xFFFFFFC0 ss:$0x1], $0xffff  }
0x23: {  	v5 =	vld.idx.msk [tilespmem:v0+s15+$0xFFFFFFD0 ss:$0x1], $0xffff  }
0x24: {  	v4 =	vld.idx.msk [tilespmem:v0+s15+$0xFFFFFFE0 ss:$0x1], $0xffff  }
0x25: {  	v3 =	vld.idx.msk [tilespmem:v0+s15+$0xFFFFFFF0 ss:$0x1], $0xffff  }
0x26: {  	v1 =	vld.idx.msk [tilespmem:v0+s15+$0x0 ss:$0x1], $0xffff  }
0x27: {  	v2 =	vld.idx.msk [tilespmem:v0+s15+$0x10 ss:$0x1], $0xffff;
	[tilespmem:s10+$0x30] =	vst v6  }
0x28: {  	s14 =	simm.s32 $0x80;
	s16 =	simm.s32 $0x400;
	[tilespmem:s10+$0xFFFFFFC0] =	vst v7;
	v6 =	vld.idx.msk [tilespmem:v0+s15+$0x20 ss:$0x1], $0xffff;
	s15 =	smov.u32 s10  }
.LBB1_4:
0x29: {  	p1 =	sne.s32 s16, $0xE00;
	v7 =	vld.idx.msk [tilespmem:v0+s14+$0x30 ss:$0x1], $0xffff;
	[tilespmem:s15+$0xFFFFFFD0] =	vst v5  }
0x2a: {  	v8 =	vld.idx.msk [tilespmem:v0+s14+$0xFFFFFFC0 ss:$0x1], $0xffff;
	[tilespmem:s15+$0xFFFFFFE0] =	vst v4  }
0x2b: {  	v5 =	vld.idx.msk [tilespmem:v0+s14+$0xFFFFFFD0 ss:$0x1], $0xffff;
	[tilespmem:s15+$0xFFFFFFF0] =	vst v3  }
.Ltmp3:
0x2c: {  	v4 =	vld.idx.msk [tilespmem:v0+s14+$0xFFFFFFE0 ss:$0x1], $0xffff;
	[tilespmem:s15+$0x0] =	vst v1;
	(pc) =	sbr.rel @p1 .LBB1_4-.Ltmp3, $4  }
0x2d: {  	v3 =	vld.idx.msk [tilespmem:v0+s14+$0xFFFFFFF0 ss:$0x1], $0xffff;
	[tilespmem:s15+$0x10] =	vst v2  }
0x2e: {  	v1 =	vld.idx.msk [tilespmem:v0+s14+$0x0 ss:$0x1], $0xffff;
	[tilespmem:s15+$0x20] =	vst v6;
	s15 =	sadd.s32 $0x800, s15  }
0x2f: {  	v2 =	vld.idx.msk [tilespmem:v0+s14+$0x10 ss:$0x1], $0xffff;
	[tilespmem:s15+$0x30] =	vst v7  }
0x30: {  	[tilespmem:s15+$0xFFFFFFC0] =	vst v8;
	v6 =	vld.idx.msk [tilespmem:v0+s14+$0x20 ss:$0x1], $0xffff;
	s14 =	sshra.s32 s16, $0x2;
	s16 =	sadd.s32 $0x200, s16  }
0x31: {  	_ =	sdelay $0x2  }
0x32: {  	[tilespmem:s15+$0xFFFFFFD0] =	vst v5  }
0x33: {  	v56 =	vld.idx.msk [tilespmem:v0+s14+$0x30 ss:$0x1], $0xffff;
	[tilespmem:s15+$0xFFFFFFE0] =	vst v4  }
0x34: {  	v57 =	vld.idx.msk [tilespmem:v0+s14+$0xFFFFFFC0 ss:$0x1], $0xffff;
	[tilespmem:s15+$0xFFFFFFF0] =	vst v3  }
0x35: {  	v58 =	vld.idx.msk [tilespmem:v0+s14+$0xFFFFFFD0 ss:$0x1], $0xffff;
	[tilespmem:s15+$0x0] =	vst v1  }
0x36: {  	v59 =	vld.idx.msk [tilespmem:v0+s14+$0xFFFFFFE0 ss:$0x1], $0xffff;
	[tilespmem:s15+$0x10] =	vst v2  }
0x37: {  	v60 =	vld.idx.msk [tilespmem:v0+s14+$0xFFFFFFF0 ss:$0x1], $0xffff;
	s31 =	sadd.s32 $0x800, s15;
	[tilespmem:s15+$0x20] =	vst v6  }
0x38: {  	v61 =	vld.idx.msk [tilespmem:v0+s14+$0x0 ss:$0x1], $0xffff;
	[tilespmem:s31+$0x30] =	vst v56  }
0x39: {  	v62 =	vld.idx.msk [tilespmem:v0+s14+$0x10 ss:$0x1], $0xffff;
	s13 =	sadd.s32 $0x1, s13;
	[tilespmem:s31+$0xFFFFFFC0] =	vst v57  }
0x3a: {  	v63 =	vld.idx.msk [tilespmem:v0+s14+$0x20 ss:$0x1], $0xffff;
	p1 =	sne.s32 s13, $0x10;
	[tilespmem:s31+$0xFFFFFFD0] =	vst v58  }
.Ltmp4:
0x3b: {  	[tilespmem:s31+$0xFFFFFFE0] =	vst v59;
	(pc) =	sbr.rel @p1 .LBB1_3-.Ltmp4, $4  }
0x3c: {  	[tilespmem:s31+$0xFFFFFFF0] =	vst v60  }
0x3d: {  	[tilespmem:s31+$0x0] =	vst v61  }
0x3e: {  	[tilespmem:s31+$0x10] =	vst v62  }
0x3f: {  	s10 =	sadd.s32 $0x80, s10;
	s11 =	sadd.s32 $0x400, s11;
	[tilespmem:s31+$0x20] =	vst v63  }
.Ltmp5:
0x40: {  	(pc) =	sbr.rel .LBB1_7-.Ltmp5, $4  }
0x41: {  	_ = 	snop  }
0x42: {  	s9 =	sshll.u32 s9, $0xB  }
0x43: {  	s9 =	sadd.s32 s2, s9  }
0x44: {  	[hbm4b:s9+s6] =	stream.linear.scatter [tilespmem:s12], [sflag:$0x2], $0x4000, $0x38;
	[tilespmem:$0x10000] =	vst v63  }
.LBB1_8:
0x45: {  	_ =	sfence.sel $0x180000  }
0x46: {  	s2 =	simm.s32 $0x1;
	[bflag:$0x0] =	sbarrier.arrive $0xFFFF  }
0x47: {  	s31 =	simm.s32 $0x2;
	[sflag:s2] =	ssyncpa.u1 $0x1  }
0x48: {  	[sflag:s31] =	ssyncpa.u1 $0x1  }
0x49: {  	p0 =	sne.s32 s1, $0x0;
	_ =	strace $0x90000047  }
0x4a: {  	s0 =	sadd.s32 @!p0 $0x100000, s0;
	[bflag:$0x2] =	sbarrier.arrive $0xFFFF  }
0x4b: {  	[sflag:s0] =	ssyncadd.tile.s32 @!p0 $0x1;
	_ =	shalt  }
.Lfunc_end1:
_tile_overlayer_lowered:
.L_overlay_start_2:
0x4c: {  	(tag) =	ssettag $0x2  }
0x4d: {  	s0 =	rddreg [dreg:$0x0];
	s2 =	stileid.u32  }
0x4e: {  	s1 =	rddreg [dreg:$0x1];
	p0 =	sne.s32 s2, $0x0  }
0x4f: {  	s3 =	rddreg [dreg:$0x2];
	[bflag:$0x3] =	sbarrier.arrive $0xFFFF;
	s2 =	simm.s32 @!p0 $0x1C01  }
0x50: {  	[timem:s3], [sflag:s2] =	dma.local @!p0 [hbm:s0], s1  }
0x51: {  	s0 =	simm.s32 @!p0 $0x1  }
0x52: {  	_ =	swait.ge @!p0 [sflag:s0], s1  }
0x53: {  	s1 =	ssub.s32 @!p0 $0x0, s1;
	[sflag:s0] =	ssyncset.done @!p0 $0x0  }
0x54: {  	[sflag:s0] =	ssyncadd.s32 @!p0 s1  }
0x55: {  	[bflag:$0x3] =	sbarrier.arrive $0xFFFF  }
0x56: {  	_ =	shalt  }

</sc_bundles>
